<compile_context>
chip_gen: v7x
topology: tpu7x:2x2x1
jax: 0.10.2.dev20260603
libtpu: 0.0.44.dev20260713+nightly
codegen_flags: <defaults>
</compile_context>

<pallas_src>
import functools

import jax
import jax.numpy as jnp
from jax import lax
from jax.experimental import pallas as pl
from jax.experimental.pallas import tpu as pltpu
from jax.experimental.pallas import tpu_sc as plsc

B, NBFEAT, H, W = 8, 384, 128, 128
ENC, P = 64, 1024
_EPSILON = 1e-06
HS = 16
NH = H // HS
HW = H * W


def _conv_body(fm_ref, w1t_ref, wp_ref, wb_ref,
               pfmt_ref, x_ref, bf_ref, bl_ref, acc_ref):
    h = pl.program_id(1)
    fm2 = fm_ref[0]
    pfmt = lax.dot_general(fm2, w1t_ref[...],
                           (((0,), (0,)), ((), ())),
                           preferred_element_type=jnp.float32)
    pfmt_ref[0] = pfmt
    x = jnp.dot(pfmt, wp_ref[...], preferred_element_type=jnp.float32)
    x_ref[0] = x
    part = fm2[:, 0:W]
    for j in range(1, HS * W // W):
        part = part + fm2[:, j * W:(j + 1) * W]
    @pl.when(h == 0)
    def _():
        acc_ref[...] = part
    @pl.when(h > 0)
    def _():
        acc_ref[...] += part

    @pl.when(h == NH - 1)
    def _():
        bfv = jnp.sum(acc_ref[...], axis=1, keepdims=True) / jnp.float32(HW)
        bf_ref[0] = bfv
        bl = jnp.maximum(jnp.sum(bfv * wb_ref[0]), 0.0)
        bl_ref[...] = jnp.full((1, 1, 128), bl, dtype=jnp.float32)


def _conv_stage(featureMaps, W1, Wp, Wb):
    grid = (B, NH)
    out = pl.pallas_call(
        _conv_body,
        grid=grid,
        in_specs=[
            pl.BlockSpec((1, NBFEAT, HS * W), lambda b, h: (b, 0, h)),
            pl.BlockSpec((NBFEAT, ENC), lambda b, h: (0, 0)),
            pl.BlockSpec((ENC, 1), lambda b, h: (0, 0)),
            pl.BlockSpec((1, NBFEAT, 1), lambda b, h: (0, 0, 0)),
        ],
        out_specs=[
            pl.BlockSpec((1, HS * W, ENC), lambda b, h: (b, h, 0)),
            pl.BlockSpec((1, HS * W, 1), lambda b, h: (b, h, 0)),
            pl.BlockSpec((1, NBFEAT, 1), lambda b, h: (b, 0, 0)),
            pl.BlockSpec((1, 1, 128), lambda b, h: (b, 0, 0)),
        ],
        out_shape=[
            jax.ShapeDtypeStruct((B, HW, ENC), jnp.float32),
            jax.ShapeDtypeStruct((B, HW, 1), jnp.float32),
            jax.ShapeDtypeStruct((B, NBFEAT, 1), jnp.float32),
            jax.ShapeDtypeStruct((B, 1, 128), jnp.float32),
        ],
        scratch_shapes=[pltpu.VMEM((NBFEAT, W), jnp.float32)],
    )(featureMaps.reshape(B, NBFEAT, HW), W1.T, Wp.T, Wb.reshape(1, NBFEAT, 1))
    return out


_SC_INFO = None


def _sc_gather(table, idx):
    info = plsc.get_sparse_core_info()
    nw = info.num_cores * info.num_subcores
    n = idx.shape[0]
    b_per_w = n // nw
    mesh = plsc.VectorSubcoreMesh(core_axis_name="c", subcore_axis_name="s")

    @functools.partial(
        pl.kernel, mesh=mesh,
        out_type=jax.ShapeDtypeStruct((n, 2 * ENC), jnp.float32),
        scratch_types=[
            pltpu.VMEM((b_per_w,), jnp.int32),
            pltpu.VMEM((b_per_w, 2 * ENC), jnp.float32),
            pltpu.SemaphoreType.DMA,
        ],
    )
    def k(table_hbm, idx_hbm, out_hbm, idx_v, rows_v, sem):
        wid = lax.axis_index("s") * info.num_cores + lax.axis_index("c")
        base = wid * b_per_w
        pltpu.sync_copy(idx_hbm.at[pl.ds(base, b_per_w)], idx_v)
        pltpu.async_copy(table_hbm.at[idx_v], rows_v, sem).wait()
        pltpu.sync_copy(rows_v, out_hbm.at[pl.ds(base, b_per_w)])

    return k(table, idx)


def kernel(featureMaps, W1, b1, Wp, bp, Wb, bb):
    pfmt, x_flat, baseFeat3, bl_pad = _conv_stage(featureMaps, W1, Wp, Wb)
    x_full = x_flat.reshape(B, H, W)
    baseFeat = baseFeat3.reshape(B, NBFEAT)
    baseline = bl_pad.reshape(B, 128)[:, :1]
    x = x_full[:, 3:-3, 3:-3] + (jnp.dot(Wp, b1) + bp)[0]
    h, w = H - 6, W - 6
    flatX = jax.nn.sigmoid(x.reshape(B, h * w))
    probs = flatX / (flatX.sum(axis=1, keepdims=True) + _EPSILON)
    _, flatInds = jax.lax.top_k(probs, P)
    abs_i = flatInds % w
    ord_i = flatInds // w
    full_idx = (ord_i + 3) * W + (abs_i + 3) + (jnp.arange(B, dtype=jnp.int32) * HW)[:, None]
    table2 = pfmt.reshape(B * HW // 2, 2 * ENC)
    fi = full_idx.reshape(B * P)
    pairs = _sc_gather(table2, fi // 2)
    parity = (fi % 2)[:, None]
    pf_rows = jnp.where(parity == 1, pairs[:, ENC:], pairs[:, :ENC]) + b1[None, :]
    pointFeat = pf_rows.reshape(B, P, ENC)
    depth = jnp.zeros((B, P, 1), dtype=jnp.float32)
    absf = abs_i[..., None].astype(jnp.float32)
    ordf = ord_i[..., None].astype(jnp.float32)
    points_full = jnp.concatenate([absf, ordf, depth, pointFeat], axis=-1)
    batch = jnp.repeat(jnp.arange(B), P)
    pos = jnp.concatenate([absf, ordf, depth], axis=-1).reshape(B * P, 3)
    pointfeatures = pf_rows
    return (points_full, batch, pos, pointfeatures, probs, flatInds,
            baseFeat, baseline)

# --- scband reference (transcript-rebuilt; emitter-appended) ---
"""Pipeline reference for scband-reinforce-point-extractor-14267881358077 (READ-ONLY COPY).

The authoritative reference and input builder live on the scoring server;
editing this copy changes nothing except your own understanding.
"""

import jax, jax.numpy as jnp
import numpy as np

B, NBFEAT, H, W = 8, 384, 128, 128
ENC, P = 64, 1024
_EPSILON = 1e-06


def setup_inputs(seed: int = 0) -> dict:
    key = jax.random.key(seed)
    ks = jax.random.split(key, 6)
    featureMaps = jax.random.normal(ks[0], (B, NBFEAT, H, W), dtype=jnp.float32)
    W1 = jax.random.normal(ks[1], (ENC, NBFEAT), dtype=jnp.float32) * (1.0 / np.sqrt(NBFEAT))
    b1 = jnp.zeros((ENC,), dtype=jnp.float32)
    Wp = jax.random.normal(ks[2], (1, ENC), dtype=jnp.float32) * (1.0 / np.sqrt(ENC))
    bp = jnp.zeros((1,), dtype=jnp.float32)
    Wb = jax.random.normal(ks[3], (1, NBFEAT), dtype=jnp.float32) * (1.0 / np.sqrt(NBFEAT))
    bb = jnp.zeros((1,), dtype=jnp.float32)
    return {"featureMaps": featureMaps, "W1": W1, "b1": b1, "Wp": Wp, "bp": bp, "Wb": Wb, "bb": bb}


def reference(featureMaps, W1, b1, Wp, bp, Wb, bb):
    # crop 3 pixels on each border
    fm = featureMaps[:, :, 3:-3, 3:-3]
    # conv1x1: nbFeat -> encoderChan
    pfm = jnp.einsum('bchw,oc->bohw', fm, W1) + b1[None, :, None, None]
    # lin_prob conv1x1: encoderChan -> 1 (reinf_linear_only=False, no detach)
    x = jnp.einsum('bchw,oc->bohw', pfm, Wp) + bp[None, :, None, None]
    Bn = x.shape[0]
    h, w = x.shape[2], x.shape[3]
    flatX = jax.nn.sigmoid(x.reshape(Bn, -1))
    probs = flatX / (flatX.sum(axis=1, keepdims=True) + _EPSILON)
    # top-k over flattened spatial positions
    _, flatInds = jax.lax.top_k(probs, P)
    abs_i = flatInds % w
    ord_i = flatInds // w
    # mapToList: gather all channels at (ord, abs) -> [B, P, ENC]
    flat = pfm.reshape(Bn, ENC, h * w)
    pointFeat = jnp.take_along_axis(flat, flatInds[:, None, :], axis=2).transpose(0, 2, 1)
    depth = jnp.zeros((Bn, P, 1), dtype=jnp.float32)
    absf = abs_i[..., None].astype(jnp.float32)
    ordf = ord_i[..., None].astype(jnp.float32)
    points = jnp.concatenate([absf, ordf, depth], axis=-1)
    points_full = jnp.concatenate([absf, ordf, depth, pointFeat], axis=-1)
    batch = jnp.repeat(jnp.arange(Bn), P)
    pos = points.reshape(Bn * P, 3)
    pointfeatures = pointFeat.reshape(Bn * P, ENC)
    # baseline head on detached pooled features
    baseFeat = featureMaps.mean(axis=-1).mean(axis=-1)
    baseline = jax.nn.relu(jax.lax.stop_gradient(baseFeat) @ Wb.T + bb)
    return (points_full, batch, pos, pointfeatures, probs, flatInds, baseFeat, baseline)

if __name__ == "__main__":
    import jax
    _d = setup_inputs()
    print(jax.jit(kernel)(*tuple(_d.values())))

</pallas_src>

<mosaic_0001>
#map = affine_map<(d0, d1) -> (0, 0)>
#map1 = affine_map<(d0, d1) -> (0)>
module attributes {stable_mosaic.version = 14 : i64} {
  func.func @k(%arg0: i32, %arg1: i32, %arg2: memref<65536x128xf32, #tpu.memory_space<hbm>>, %arg3: memref<8192xi32, #tpu.memory_space<hbm>>, %arg4: memref<8192x128xf32, #tpu.memory_space<hbm>>, %arg5: memref<256xi32, #tpu.memory_space<vmem>>, %arg6: memref<256x128xf32, #tpu.memory_space<vmem>>, %arg7: memref<!tpu.dma_semaphore, #tpu.memory_space<semaphore_mem>>) attributes {dimension_semantics = [#tpu.dimension_semantics<core_parallel>, #tpu.dimension_semantics<subcore_parallel>], iteration_bounds = array<i64: 2, 16>, scalar_prefetch = 0 : i64, scratch_operands = 3 : i64, tpu.core_type = #tpu.core_type<sc_vector_subcore>, window_params = [{transform_indices = #map}, {transform_indices = #map1}, {transform_indices = #map}]} {
    %mul3A = arith.constant 2 : i32
    %mul3A_0 = arith.muli %arg1, %mul3A : i32
    %add3A = arith.addi %mul3A_0, %arg0 : i32
    %mul3A_1 = arith.constant 256 : i32
    %mul3A_2 = arith.muli %add3A, %mul3A_1 : i32
    "tpu.region"() ({
      %run_scoped3A = tpu.sem_alloc : memref<!tpu.dma_semaphore, #tpu.memory_space<semaphore_mem>>
      %dma_start3A_7 = tpu.memref_slice %arg3[%mul3A_2] : memref<8192xi32, #tpu.memory_space<hbm>> -> memref<256xi32, #tpu.memory_space<hbm>>
      %dma_start3A_8 = tpu.memref_slice %arg3[%mul3A_2] : memref<8192xi32, #tpu.memory_space<hbm>> -> memref<256xi32, #tpu.memory_space<hbm>>
      tpu.enqueue_dma source(%dma_start3A_8 : memref<256xi32, #tpu.memory_space<hbm>>) target(%arg5 : memref<256xi32, #tpu.memory_space<vmem>>) target_semaphore(%run_scoped3A : memref<!tpu.dma_semaphore, #tpu.memory_space<semaphore_mem>>)
      %dma_wait3A_9 = tpu.memref_slice %arg3[%mul3A_2] : memref<8192xi32, #tpu.memory_space<hbm>> -> memref<256xi32, #tpu.memory_space<hbm>>
      %dma_wait3A_10 = tpu.memref_slice %arg3[%mul3A_2] : memref<8192xi32, #tpu.memory_space<hbm>> -> memref<256xi32, #tpu.memory_space<hbm>>
      tpu.wait_dma2 semaphore(%run_scoped3A : memref<!tpu.dma_semaphore, #tpu.memory_space<semaphore_mem>>) src(%dma_wait3A_10 : memref<256xi32, #tpu.memory_space<hbm>>) dst(%arg5 : memref<256xi32, #tpu.memory_space<vmem>>)
      tpu.yield
    }) : () -> ()
    %dma_start3A = arith.constant 0 : i32
    %dma_start3A_3 = arith.constant 0 : i32
    %dma_start3A_4 = tpu.memref_slice %arg2[%dma_start3A, %dma_start3A_3] : memref<65536x128xf32, #tpu.memory_space<hbm>> -> memref<65536x128xf32, #tpu.memory_space<hbm>>
    tpu.enqueue_indirect_dma source(%dma_start3A_4 : memref<65536x128xf32, #tpu.memory_space<hbm>>) target(%arg6 : memref<256x128xf32, #tpu.memory_space<vmem>>) offsets(%arg5 : memref<256xi32, #tpu.memory_space<vmem>>) semaphore(%arg7 : memref<!tpu.dma_semaphore, #tpu.memory_space<semaphore_mem>>)
    %dma_wait3A = arith.constant 0 : i32
    %dma_wait3A_5 = arith.constant 0 : i32
    %dma_wait3A_6 = tpu.memref_slice %arg2[%dma_wait3A, %dma_wait3A_5] : memref<65536x128xf32, #tpu.memory_space<hbm>> -> memref<65536x128xf32, #tpu.memory_space<hbm>>
    tpu.wait_indirect_dma semaphore(%arg7 : memref<!tpu.dma_semaphore, #tpu.memory_space<semaphore_mem>>) src(%dma_wait3A_6 : memref<65536x128xf32, #tpu.memory_space<hbm>>) dst(%arg6 : memref<256x128xf32, #tpu.memory_space<vmem>>)
    "tpu.region"() ({
      %run_scoped3A = tpu.sem_alloc : memref<!tpu.dma_semaphore, #tpu.memory_space<semaphore_mem>>
      %dma_start3A_7 = arith.constant 0 : i32
      %dma_start3A_8 = tpu.memref_slice %arg4[%mul3A_2, %dma_start3A_7] : memref<8192x128xf32, #tpu.memory_space<hbm>> -> memref<256x128xf32, #tpu.memory_space<hbm>>
      %dma_start3A_9 = arith.constant 0 : i32
      %dma_start3A_10 = tpu.memref_slice %arg4[%mul3A_2, %dma_start3A_9] : memref<8192x128xf32, #tpu.memory_space<hbm>> -> memref<256x128xf32, #tpu.memory_space<hbm>>
      tpu.enqueue_dma source(%arg6 : memref<256x128xf32, #tpu.memory_space<vmem>>) target(%dma_start3A_10 : memref<256x128xf32, #tpu.memory_space<hbm>>) target_semaphore(%run_scoped3A : memref<!tpu.dma_semaphore, #tpu.memory_space<semaphore_mem>>)
      %dma_wait3A_11 = arith.constant 0 : i32
      %dma_wait3A_12 = tpu.memref_slice %arg4[%mul3A_2, %dma_wait3A_11] : memref<8192x128xf32, #tpu.memory_space<hbm>> -> memref<256x128xf32, #tpu.memory_space<hbm>>
      %dma_wait3A_13 = arith.constant 0 : i32
      %dma_wait3A_14 = tpu.memref_slice %arg4[%mul3A_2, %dma_wait3A_13] : memref<8192x128xf32, #tpu.memory_space<hbm>> -> memref<256x128xf32, #tpu.memory_space<hbm>>
      tpu.wait_dma2 semaphore(%run_scoped3A : memref<!tpu.dma_semaphore, #tpu.memory_space<semaphore_mem>>) src(%arg6 : memref<256x128xf32, #tpu.memory_space<vmem>>) dst(%dma_wait3A_14 : memref<256x128xf32, #tpu.memory_space<hbm>>)
      tpu.yield
    }) : () -> ()
    return
  }
}

module attributes {stable_mosaic.version = 14 : i64} {
  func.func @_conv_body(%arg0: i32, %arg1: i32, %arg2: memref<1x384x2048xf32, #tpu.memory_space<vmem>>, %arg3: memref<384x64xf32, #tpu.memory_space<vmem>>, %arg4: memref<64x1xf32, #tpu.memory_space<vmem>>, %arg5: memref<1x384x1xf32, #tpu.memory_space<vmem>>, %arg6: memref<1x2048x64xf32, #tpu.memory_space<vmem>>, %arg7: memref<1x2048x1xf32, #tpu.memory_space<vmem>>, %arg8: memref<1x384x1xf32, #tpu.memory_space<vmem>>, %arg9: memref<1x1x128xf32, #tpu.memory_space<vmem>>, %arg10: memref<384x128xf32, #tpu.memory_space<vmem>>) attributes {dimension_semantics = [#tpu.dimension_semantics<arbitrary>, #tpu.dimension_semantics<arbitrary>], iteration_bounds = array<i64: 8, 8>, scalar_prefetch = 0 : i64, scratch_operands = 1 : i64, tpu.core_type = #tpu.core_type<tc>, window_params = [{transform_indices = @transform_0, window_bounds = array<i64: 1, 384, 2048>}, {pipeline_mode = #tpu.pipeline_mode<synchronous>, transform_indices = @transform_1, window_bounds = array<i64: 384, 64>}, {pipeline_mode = #tpu.pipeline_mode<synchronous>, transform_indices = @transform_2, window_bounds = array<i64: 64, 1>}, {pipeline_mode = #tpu.pipeline_mode<synchronous>, transform_indices = @transform_3, window_bounds = array<i64: 1, 384, 1>}, {transform_indices = @transform_4, window_bounds = array<i64: 1, 2048, 64>}, {transform_indices = @transform_5, window_bounds = array<i64: 1, 2048, 1>}, {transform_indices = @transform_6, window_bounds = array<i64: 1, 384, 1>}, {transform_indices = @transform_7, window_bounds = array<i64: 1, 1, 128>}]} {
    %get3A = arith.constant 0 : index
    %get3A_0 = arith.constant 0 : index
    %get3A_1 = arith.constant 0 : index
    %get3A_2 = vector.load %arg2[%get3A, %get3A_0, %get3A_1] : memref<1x384x2048xf32, #tpu.memory_space<vmem>>, vector<1x384x2048xf32>
    %get3A_3 = vector.shape_cast %get3A_2 : vector<1x384x2048xf32> to vector<384x2048xf32>
    %get3A_4 = arith.constant 0 : index
    %get3A_5 = arith.constant 0 : index
    %get3A_6 = vector.load %arg3[%get3A_4, %get3A_5] : memref<384x64xf32, #tpu.memory_space<vmem>>, vector<384x64xf32>
    %dot_general3A = arith.constant dense<0.000000e+00> : vector<2048x64xf32>
    %dot_general3A_7 = tpu.matmul %get3A_3, %get3A_6, %dot_general3A {dimension_numbers = #tpu.dot_dimension_numbers<[0], [0], [1], [1], [0, 1, 1, 1], [], []>, transpose_lhs_hint = false} : vector<384x2048xf32>, vector<384x64xf32>, vector<2048x64xf32> -> vector<2048x64xf32>
    %swap3A = arith.constant 0 : index
    %swap3A_8 = arith.constant 0 : index
    %swap3A_9 = arith.constant 0 : index
    %swap3A_10 = vector.load %arg6[%swap3A, %swap3A_8, %swap3A_9] : memref<1x2048x64xf32, #tpu.memory_space<vmem>>, vector<1x2048x64xf32>
    %swap3A_11 = vector.shape_cast %swap3A_10 : vector<1x2048x64xf32> to vector<2048x64xf32>
    %swap3A_12 = vector.shape_cast %dot_general3A_7 : vector<2048x64xf32> to vector<1x2048x64xf32>
    tpu.vector_store %arg6[%swap3A, %swap3A_8, %swap3A_9], %swap3A_12 {strides = array<i32>} : memref<1x2048x64xf32, #tpu.memory_space<vmem>>, vector<1x2048x64xf32>,
    %get3A_13 = arith.constant 0 : index
    %get3A_14 = arith.constant 0 : index
    %get3A_15 = vector.load %arg4[%get3A_13, %get3A_14] : memref<64x1xf32, #tpu.memory_space<vmem>>, vector<64x1xf32>
    %dot_general3A_16 = arith.constant dense<0.000000e+00> : vector<2048x1xf32>
    %dot_general3A_17 = tpu.matmul %dot_general3A_7, %get3A_15, %dot_general3A_16 {dimension_numbers = #tpu.dot_dimension_numbers<[1], [0], [0], [1], [0, 0, 1, 1], [], []>, transpose_lhs_hint = false} : vector<2048x64xf32>, vector<64x1xf32>, vector<2048x1xf32> -> vector<2048x1xf32>
    %swap3A_18 = arith.constant 0 : index
    %swap3A_19 = arith.constant 0 : index
    %swap3A_20 = arith.constant 0 : index
    %swap3A_21 = vector.load %arg7[%swap3A_18, %swap3A_19, %swap3A_20] : memref<1x2048x1xf32, #tpu.memory_space<vmem>>, vector<1x2048x1xf32>
    %swap3A_22 = vector.shape_cast %swap3A_21 : vector<1x2048x1xf32> to vector<2048x1xf32>
    %swap3A_23 = vector.shape_cast %dot_general3A_17 : vector<2048x1xf32> to vector<1x2048x1xf32>
    tpu.vector_store %arg7[%swap3A_18, %swap3A_19, %swap3A_20], %swap3A_23 {strides = array<i32>} : memref<1x2048x1xf32, #tpu.memory_space<vmem>>, vector<1x2048x1xf32>,
    %slice3A = vector.extract_strided_slice %get3A_3 {offsets = [0, 0], sizes = [384, 128], strides = [1, 1]} : vector<384x2048xf32> to vector<384x128xf32>
    %slice3A_24 = vector.extract_strided_slice %get3A_3 {offsets = [0, 128], sizes = [384, 128], strides = [1, 1]} : vector<384x2048xf32> to vector<384x128xf32>
    %add3A = arith.addf %slice3A, %slice3A_24 : vector<384x128xf32>
    %slice3A_25 = vector.extract_strided_slice %get3A_3 {offsets = [0, 256], sizes = [384, 128], strides = [1, 1]} : vector<384x2048xf32> to vector<384x128xf32>
    %add3A_26 = arith.addf %add3A, %slice3A_25 : vector<384x128xf32>
    %slice3A_27 = vector.extract_strided_slice %get3A_3 {offsets = [0, 384], sizes = [384, 128], strides = [1, 1]} : vector<384x2048xf32> to vector<384x128xf32>
    %add3A_28 = arith.addf %add3A_26, %slice3A_27 : vector<384x128xf32>
    %slice3A_29 = vector.extract_strided_slice %get3A_3 {offsets = [0, 512], sizes = [384, 128], strides = [1, 1]} : vector<384x2048xf32> to vector<384x128xf32>
    %add3A_30 = arith.addf %add3A_28, %slice3A_29 : vector<384x128xf32>
    %slice3A_31 = vector.extract_strided_slice %get3A_3 {offsets = [0, 640], sizes = [384, 128], strides = [1, 1]} : vector<384x2048xf32> to vector<384x128xf32>
    %add3A_32 = arith.addf %add3A_30, %slice3A_31 : vector<384x128xf32>
    %slice3A_33 = vector.extract_strided_slice %get3A_3 {offsets = [0, 768], sizes = [384, 128], strides = [1, 1]} : vector<384x2048xf32> to vector<384x128xf32>
    %add3A_34 = arith.addf %add3A_32, %slice3A_33 : vector<384x128xf32>
    %slice3A_35 = vector.extract_strided_slice %get3A_3 {offsets = [0, 896], sizes = [384, 128], strides = [1, 1]} : vector<384x2048xf32> to vector<384x128xf32>
    %add3A_36 = arith.addf %add3A_34, %slice3A_35 : vector<384x128xf32>
    %slice3A_37 = vector.extract_strided_slice %get3A_3 {offsets = [0, 1024], sizes = [384, 128], strides = [1, 1]} : vector<384x2048xf32> to vector<384x128xf32>
    %add3A_38 = arith.addf %add3A_36, %slice3A_37 : vector<384x128xf32>
    %slice3A_39 = vector.extract_strided_slice %get3A_3 {offsets = [0, 1152], sizes = [384, 128], strides = [1, 1]} : vector<384x2048xf32> to vector<384x128xf32>
    %add3A_40 = arith.addf %add3A_38, %slice3A_39 : vector<384x128xf32>
    %slice3A_41 = vector.extract_strided_slice %get3A_3 {offsets = [0, 1280], sizes = [384, 128], strides = [1, 1]} : vector<384x2048xf32> to vector<384x128xf32>
    %add3A_42 = arith.addf %add3A_40, %slice3A_41 : vector<384x128xf32>
    %slice3A_43 = vector.extract_strided_slice %get3A_3 {offsets = [0, 1408], sizes = [384, 128], strides = [1, 1]} : vector<384x2048xf32> to vector<384x128xf32>
    %add3A_44 = arith.addf %add3A_42, %slice3A_43 : vector<384x128xf32>
    %slice3A_45 = vector.extract_strided_slice %get3A_3 {offsets = [0, 1536], sizes = [384, 128], strides = [1, 1]} : vector<384x2048xf32> to vector<384x128xf32>
    %add3A_46 = arith.addf %add3A_44, %slice3A_45 : vector<384x128xf32>
    %slice3A_47 = vector.extract_strided_slice %get3A_3 {offsets = [0, 1664], sizes = [384, 128], strides = [1, 1]} : vector<384x2048xf32> to vector<384x128xf32>
    %add3A_48 = arith.addf %add3A_46, %slice3A_47 : vector<384x128xf32>
    %slice3A_49 = vector.extract_strided_slice %get3A_3 {offsets = [0, 1792], sizes = [384, 128], strides = [1, 1]} : vector<384x2048xf32> to vector<384x128xf32>
    %add3A_50 = arith.addf %add3A_48, %slice3A_49 : vector<384x128xf32>
    %slice3A_51 = vector.extract_strided_slice %get3A_3 {offsets = [0, 1920], sizes = [384, 128], strides = [1, 1]} : vector<384x2048xf32> to vector<384x128xf32>
    %add3A_52 = arith.addf %add3A_50, %slice3A_51 : vector<384x128xf32>
    %eq3A = arith.constant 0 : i32
    %eq3A_53 = arith.cmpi eq, %arg1, %eq3A : i32
    %convert_element_type3A = arith.extui %eq3A_53 : i1 to i32
    %cond3A = arith.constant 0 : i32
    %cond3A_54 = arith.cmpi ne, %convert_element_type3A, %cond3A : i32
    scf.if %cond3A_54 {
      %swap3A_64 = arith.constant 0 : index
      %swap3A_65 = arith.constant 0 : index
      %swap3A_66 = vector.load %arg10[%swap3A_64, %swap3A_65] : memref<384x128xf32, #tpu.memory_space<vmem>>, vector<384x128xf32>
      tpu.vector_store %arg10[%swap3A_64, %swap3A_65], %add3A_52 {strides = array<i32>} : memref<384x128xf32, #tpu.memory_space<vmem>>, vector<384x128xf32>,
    } else {
    }
    %gt3A = arith.constant 0 : i32
    %gt3A_55 = arith.cmpi sgt, %arg1, %gt3A : i32
    %convert_element_type3A_56 = arith.extui %gt3A_55 : i1 to i32
    %cond3A_57 = arith.constant 0 : i32
    %cond3A_58 = arith.cmpi ne, %convert_element_type3A_56, %cond3A_57 : i32
    scf.if %cond3A_58 {
      %get3A_64 = arith.constant 0 : index
      %get3A_65 = arith.constant 0 : index
      %get3A_66 = vector.load %arg10[%get3A_64, %get3A_65] : memref<384x128xf32, #tpu.memory_space<vmem>>, vector<384x128xf32>
      %add3A_67 = arith.addf %get3A_66, %add3A_52 : vector<384x128xf32>
      %swap3A_68 = arith.constant 0 : index
      %swap3A_69 = arith.constant 0 : index
      %swap3A_70 = vector.load %arg10[%swap3A_68, %swap3A_69] : memref<384x128xf32, #tpu.memory_space<vmem>>, vector<384x128xf32>
      tpu.vector_store %arg10[%swap3A_68, %swap3A_69], %add3A_67 {strides = array<i32>} : memref<384x128xf32, #tpu.memory_space<vmem>>, vector<384x128xf32>,
    } else {
    }
    %eq3A_59 = arith.constant 7 : i32
    %eq3A_60 = arith.cmpi eq, %arg1, %eq3A_59 : i32
    %convert_element_type3A_61 = arith.extui %eq3A_60 : i1 to i32
    %cond3A_62 = arith.constant 0 : i32
    %cond3A_63 = arith.cmpi ne, %convert_element_type3A_61, %cond3A_62 : i32
    scf.if %cond3A_63 {
      %get3A_64 = arith.constant 0 : index
      %get3A_65 = arith.constant 0 : index
      %get3A_66 = vector.load %arg10[%get3A_64, %get3A_65] : memref<384x128xf32, #tpu.memory_space<vmem>>, vector<384x128xf32>
      %reduce_sum3A = arith.constant dense<0.000000e+00> : vector<384xf32>
      %reduce_sum3A_67 = vector.multi_reduction <add>, %get3A_66, %reduce_sum3A [1] : vector<384x128xf32> to vector<384xf32>
      %broadcast_in_dim3A = vector.shape_cast %reduce_sum3A_67 : vector<384xf32> to vector<384x1xf32>
      %div3A = arith.constant 1.638400e+04 : f32
      %div3A_68 = vector.broadcast %div3A : f32 to vector<384x1xf32>
      %div3A_69 = arith.divf %broadcast_in_dim3A, %div3A_68 : vector<384x1xf32>
      %swap3A_70 = arith.constant 0 : index
      %swap3A_71 = arith.constant 0 : index
      %swap3A_72 = arith.constant 0 : index
      %swap3A_73 = vector.load %arg8[%swap3A_70, %swap3A_71, %swap3A_72] : memref<1x384x1xf32, #tpu.memory_space<vmem>>, vector<1x384x1xf32>
      %swap3A_74 = vector.shape_cast %swap3A_73 : vector<1x384x1xf32> to vector<384x1xf32>
      %swap3A_75 = vector.shape_cast %div3A_69 : vector<384x1xf32> to vector<1x384x1xf32>
      tpu.vector_store %arg8[%swap3A_70, %swap3A_71, %swap3A_72], %swap3A_75 {strides = array<i32>} : memref<1x384x1xf32, #tpu.memory_space<vmem>>, vector<1x384x1xf32>,
      %get3A_76 = arith.constant 0 : index
      %get3A_77 = arith.constant 0 : index
      %get3A_78 = arith.constant 0 : index
      %get3A_79 = vector.load %arg5[%get3A_76, %get3A_77, %get3A_78] : memref<1x384x1xf32, #tpu.memory_space<vmem>>, vector<1x384x1xf32>
      %get3A_80 = vector.shape_cast %get3A_79 : vector<1x384x1xf32> to vector<384x1xf32>
      %mul3A = arith.mulf %div3A_69, %get3A_80 : vector<384x1xf32>
      %reduce_sum3A_81 = vector.shape_cast %mul3A : vector<384x1xf32> to vector<1x384x1xf32>
      %reduce_sum3A_82 = arith.constant dense<0.000000e+00> : vector<1xf32>
      %reduce_sum3A_83 = vector.multi_reduction <add>, %reduce_sum3A_81, %reduce_sum3A_82 [1, 2] : vector<1x384x1xf32> to vector<1xf32>
      %reduce_sum3A_84 = vector.shape_cast %reduce_sum3A_83 : vector<1xf32> to vector<1x1x1xf32>
      %reduce_sum3A_85 = vector.extract %reduce_sum3A_84[0, 0, 0] : f32 from vector<1x1x1xf32>
      %max3A = arith.constant 0.000000e+00 : f32
      %max3A_86 = arith.maximumf %reduce_sum3A_85, %max3A : f32
      %broadcast_in_dim3A_87 = vector.broadcast %max3A_86 : f32 to vector<1x1x128xf32>
      %swap3A_88 = arith.constant 0 : index
      %swap3A_89 = arith.constant 0 : index
      %swap3A_90 = arith.constant 0 : index
      %swap3A_91 = vector.load %arg9[%swap3A_88, %swap3A_89, %swap3A_90] : memref<1x1x128xf32, #tpu.memory_space<vmem>>, vector<1x1x128xf32>
      tpu.vector_store %arg9[%swap3A_88, %swap3A_89, %swap3A_90], %broadcast_in_dim3A_87 {strides = array<i32>} : memref<1x1x128xf32, #tpu.memory_space<vmem>>, vector<1x1x128xf32>,
    } else {
    }
    return
  }
  func.func @transform_0(%arg0: i32, %arg1: i32) -> (i32, i32, i32) {
    %c0_i32 = arith.constant 0 : i32
    %c0_i32_0 = arith.constant 0 : i32
    return %arg0, %c0_i32, %arg1 : i32, i32, i32
  }
  func.func @transform_1(%arg0: i32, %arg1: i32) -> (i32, i32) {
    %c0_i32 = arith.constant 0 : i32
    %c0_i32_0 = arith.constant 0 : i32
    %c0_i32_1 = arith.constant 0 : i32
    return %c0_i32, %c0_i32_0 : i32, i32
  }
  func.func @transform_2(%arg0: i32, %arg1: i32) -> (i32, i32) {
    %c0_i32 = arith.constant 0 : i32
    %c0_i32_0 = arith.constant 0 : i32
    %c0_i32_1 = arith.constant 0 : i32
    return %c0_i32, %c0_i32_0 : i32, i32
  }
  func.func @transform_3(%arg0: i32, %arg1: i32) -> (i32, i32, i32) {
    %c0_i32 = arith.constant 0 : i32
    %c0_i32_0 = arith.constant 0 : i32
    %c0_i32_1 = arith.constant 0 : i32
    %c0_i32_2 = arith.constant 0 : i32
    return %c0_i32, %c0_i32_0, %c0_i32_1 : i32, i32, i32
  }
  func.func @transform_4(%arg0: i32, %arg1: i32) -> (i32, i32, i32) {
    %c0_i32 = arith.constant 0 : i32
    %c0_i32_0 = arith.constant 0 : i32
    return %arg0, %arg1, %c0_i32 : i32, i32, i32
  }
  func.func @transform_5(%arg0: i32, %arg1: i32) -> (i32, i32, i32) {
    %c0_i32 = arith.constant 0 : i32
    %c0_i32_0 = arith.constant 0 : i32
    return %arg0, %arg1, %c0_i32 : i32, i32, i32
  }
  func.func @transform_6(%arg0: i32, %arg1: i32) -> (i32, i32, i32) {
    %c0_i32 = arith.constant 0 : i32
    %c0_i32_0 = arith.constant 0 : i32
    %c0_i32_1 = arith.constant 0 : i32
    return %arg0, %c0_i32, %c0_i32_0 : i32, i32, i32
  }
  func.func @transform_7(%arg0: i32, %arg1: i32) -> (i32, i32, i32) {
    %c0_i32 = arith.constant 0 : i32
    %c0_i32_0 = arith.constant 0 : i32
    %c0_i32_1 = arith.constant 0 : i32
    return %arg0, %c0_i32, %c0_i32_0 : i32, i32, i32
  }
}

</mosaic_0001>

<sc_bundles>
// kernel: kernel.4.cloned.1.call-start
scs
__scs_entry_jumppad:
0x0: {  	(pc) =	sbr.rel $0x88, $3  }
0x1: {  	(tag) =	ssettag $0x0;
	lr =	simm.s32 $0x1  }
0x2: {  	[smem:$0x3F9B] =	sst lr;
	_ =	strace $0xD0000000  }
0x3: {  	_ = 	snop  }
0x4: {  	_ = 	snop  }
0x5: {  	_ = 	snop  }
0x6: {  	_ = 	snop  }
0x7: {  	_ = 	snop  }
__scs_overlays_trampoline_lowered:
0x8: {  	[smem:$0x3FAA] =	sst s0  }
0x9: {  	[smem:$0x3FAB] =	sst s1  }
0xa: {  	[smem:$0x3FAC] =	sst s2  }
0xb: {  	[smem:$0x3FAD] =	sst s3  }
0xc: {  	[smem:$0x3FAE] =	sst s4  }
0xd: {  	[smem:$0x3FAF] =	sst s5  }
0xe: {  	[smem:$0x3FB0] =	sst s6  }
0xf: {  	[smem:$0x3FB1] =	sst s7  }
0x10: {  	[smem:$0x3FB2] =	sst s8  }
0x11: {  	[smem:$0x3FB3] =	sst s9;
	s0 =	simm.s32 @!p0 $0x0  }
0x12: {  	s1 =	sld [smem:$0x3F99];
	s0 =	simm.s32 @p0 $0x1  }
0x13: {  	[smem:$0x3FB4] =	sst s0;
	s0 =	simm.s32 @!p1 $0x0  }
0x14: {  	s2 =	sld [smem:$0x3F98];
	s0 =	simm.s32 @p1 $0x1  }
0x15: {  	[smem:$0x3FB5] =	sst s0;
	s0 =	simm.s32 @!p2 $0x0  }
0x16: {  	s3 =	sld [smem:$0x3FDB];
	s0 =	simm.s32 @p2 $0x1  }
0x17: {  	s4 =	simm.s32 $0x1BF5;
	[smem:$0x3FB7] =	sst s0  }
0x18: {  	s0 =	sld [smem:$0x3F9A];
	_ =	swait.ge [sflag:s4], $0x0  }
0x19: {  	s7 =	sld [smem:$0x3F9B]  }
0x1a: {  	s8 =	sadd.s32 $0xFFFFE003, lr  }
0x1b: {  	s9 =	sadd.s32 $0xFFFFFEF7, lr;
	s5 =	simm.s32 $0xFFFFFFFF;
	p2 =	slt.u32 s8, $0xFFFFF086  }
0x1c: {  	p1 =	slt.u32 s9, $0xF7A;
	s5 =	simm.s32 @!p2 $0x0  }
0x1d: {  	s5 =	simm.s32 @p1 $0x1;
	p0 =	seq.s32 s7, s2  }
0x1e: {  	s7 =	smul.u32 @!p0 $0xF7A, s2;
	p2 =	seq.s32 @!p0 s5, $0x0  }
0x1f: {  	s9 =	smul.u32 $0xF7A, s1;
	s8 =	simm.s32 @!p0 $0x1BF5;
	p2 =	por !p2, p0  }
0x20: {  	[sflag:s8] =	ssyncset.s32 @!p0 $0xFFFFF086;
	s6 =	sadd.s32 @!p0 s3, s7;
	s7 =	simm.s32 @!p0 $0x108  }
0x21: {  	s3 =	sadd.s32 s3, s9;
	s6 =	sadd.s32 @!p0 $0x88, s6;
	s7 =	simm.s32 @p2 $0x1082  }
0x22: {  	[simem:s7], [sflag:s8] =	dma.local @!p0 [hbm:s6], $0xF7A  }
0x23: {  	s9 =	sor.u32 $0xD0000000, s2;
	s6 =	simm.s32 $0x108;
	_ =	swait.ge @!p0 [sflag:s8], $0x0  }
0x24: {  	s3 =	sadd.s32 $0x88, s3;
	s6 =	simm.s32 @!p1 $0x1082;
	[sflag:s4] =	ssyncset.s32 $0xFFFFF086  }
0x25: {  	[simem:s6], [sflag:s4] =	dma.local [hbm:s3], $0xF7A  }
0x26: {  	[smem:$0x3F9B] =	sst s1;
	(tag) =	ssettag s2;
	_ =	strace s9  }
0x27: {  	s1 =	sld [smem:$0x3FAB]  }
0x28: {  	s2 =	sld [smem:$0x3FAC]  }
0x29: {  	s4 =	sld [smem:$0x3FAE]  }
0x2a: {  	p0 =	seq.s32 s5, $0x0;
	s5 =	sld [smem:$0x3FAF]  }
0x2b: {  	s6 =	sld [smem:$0x3FB0]  }
0x2c: {  	s7 =	sld [smem:$0x3FB1]  }
0x2d: {  	s3 =	simm.s32 $0x108;
	s8 =	sld [smem:$0x3FB2]  }
0x2e: {  	s3 =	simm.s32 @!p0 $0x1082;
	s9 =	sld [smem:$0x3FB3]  }
0x2f: {  	lr =	sadd.s32 s0, s3;
	s0 =	sld [smem:$0x3FAA]  }
0x30: {  	s3 =	sld [smem:$0x3FAD]  }
0x31: {  	[smem:$0x3FB6] =	sst s10  }
0x32: {  	s10 =	sld [smem:$0x3FB4];
	_ =	sdelay $0x3  }
0x33: {  	p0 =	seq.s32 s10, $0x1;
	s10 =	sld [smem:$0x3FB6];
	_ =	sdelay $0x3  }
0x34: {  	[smem:$0x3FB6] =	sst s10  }
0x35: {  	s10 =	sld [smem:$0x3FB5];
	_ =	sdelay $0x3  }
0x36: {  	p1 =	seq.s32 s10, $0x1;
	s10 =	sld [smem:$0x3FB6];
	_ =	sdelay $0x3  }
0x37: {  	[smem:$0x3FB6] =	sst s10  }
0x38: {  	s10 =	sld [smem:$0x3FB7]  }
0x39: {  	_ = 	snop;
	(pc) =	sbr.ind lr, $3  }
0x3a: {  	_ = 	snop  }
0x3b: {  	_ = 	snop  }
0x3c: {  	p2 =	seq.s32 s10, $0x1;
	s10 =	sld [smem:$0x3FB6]  }
0x3d: {  	_ =	shalt  }
0x3e: {  	_ =	shalt  }
0x3f: {  	_ =	shalt  }
0x40: {  	_ =	shalt  }
0x41: {  	_ =	shalt  }
0x42: {  	_ =	shalt  }
0x43: {  	_ =	shalt  }
0x44: {  	_ =	shalt  }
0x45: {  	_ =	shalt  }
0x46: {  	_ =	shalt  }
0x47: {  	_ =	shalt  }
0x48: {  	_ =	shalt  }
0x49: {  	_ =	shalt  }
0x4a: {  	_ =	shalt  }
0x4b: {  	_ =	shalt  }
0x4c: {  	_ =	shalt  }
0x4d: {  	_ =	shalt  }
0x4e: {  	_ =	shalt  }
0x4f: {  	_ =	shalt  }
0x50: {  	_ =	shalt  }
0x51: {  	_ =	shalt  }
0x52: {  	_ =	shalt  }
0x53: {  	_ =	shalt  }
0x54: {  	_ =	shalt  }
0x55: {  	_ =	shalt  }
0x56: {  	_ =	shalt  }
0x57: {  	_ =	shalt  }
0x58: {  	_ =	shalt  }
0x59: {  	_ =	shalt  }
0x5a: {  	_ =	shalt  }
0x5b: {  	_ =	shalt  }
0x5c: {  	_ =	shalt  }
0x5d: {  	_ =	shalt  }
0x5e: {  	_ =	shalt  }
0x5f: {  	_ =	shalt  }
0x60: {  	_ =	shalt  }
0x61: {  	_ =	shalt  }
0x62: {  	_ =	shalt  }
0x63: {  	_ =	shalt  }
0x64: {  	_ =	shalt  }
0x65: {  	_ =	shalt  }
0x66: {  	_ =	shalt  }
0x67: {  	_ =	shalt  }
0x68: {  	_ =	shalt  }
0x69: {  	_ =	shalt  }
0x6a: {  	_ =	shalt  }
0x6b: {  	_ =	shalt  }
0x6c: {  	_ =	shalt  }
0x6d: {  	_ =	shalt  }
0x6e: {  	_ =	shalt  }
0x6f: {  	_ =	shalt  }
0x70: {  	_ =	shalt  }
0x71: {  	_ =	shalt  }
0x72: {  	_ =	shalt  }
0x73: {  	_ =	shalt  }
0x74: {  	_ =	shalt  }
0x75: {  	_ =	shalt  }
0x76: {  	_ =	shalt  }
0x77: {  	_ =	shalt  }
0x78: {  	_ =	shalt  }
0x79: {  	_ =	shalt  }
0x7a: {  	_ =	shalt  }
0x7b: {  	_ =	shalt  }
0x7c: {  	_ =	shalt  }
0x7d: {  	_ =	shalt  }
0x7e: {  	_ =	shalt  }
0x7f: {  	_ =	shalt  }
0x80: {  	_ =	shalt  }
0x81: {  	_ =	shalt  }
0x82: {  	_ =	shalt  }
0x83: {  	_ =	shalt  }
0x84: {  	_ =	shalt  }
0x85: {  	_ =	shalt  }
0x86: {  	_ =	shalt  }
0x87: {  	_ =	shalt  }
.Lfunc_end0:
.L_simem_size_0:
called_computation_lowered:
.L_overlay_start_0:
0x88: {  	s2 =	sld [smem:$0x3FD9]  }
0x89: {  	s3 =	sld [smem:$0x3FFE];
	_ =	sdelay $0x1  }
0x8a: {  	s1 =	srdreg.scid  }
0x8b: {  	s0 =	sand.u32 $0x1, s1  }
0x8c: {  	s14 =	sshll.u32 s0, $0xA;
	s2 =	sadd.s32 s3, s2  }
0x8d: {  	s2 =	sadd.s32 s2, s14  }
0x8e: {  	[smem:$0x3FC2] =	sst s2  }
0x8f: {  	_ = 	snop  }
0x90: {  	s2 =	sld [smem:$0x3FD0];
	_ =	sdelay $0x2  }
0x91: {  	s15 =	simm.s32 $0xA;
	s4 =	simm.s32 $0x10  }
0x92: {  	[smem:s4], [sflag:s15] =	dma.local [hbm:s2], $0x1  }
0x93: {  	_ =	swait.eq [sflag:s15], $0x1  }
0x94: {  	[sflag:s15] =	ssyncset.done $0x0  }
0x95: {  	[sflag:s15] =	ssyncadd.s32 $0xFFFFFFFF  }
0x96: {  	s16 =	sld [smem:$0x13];
	(tm) =	ssettm $0x1  }
0x97: {  	s17 =	sld [smem:$0x3FFB];
	_ =	sdelay $0x3  }
0x98: {  	_ =	strace s17  }
0x99: {  	s3 =	sld [smem:$0x3FFC];
	_ =	sdelay $0x3  }
0x9a: {  	_ =	strace s3  }
0x9b: {  	s3 =	sld [smem:$0x3FFD];
	_ =	sdelay $0x3  }
0x9c: {  	_ =	strace s3  }
0x9d: {  	_ =	strace $0x8FFFFFFF  }
0x9e: {  	s18 =	sld [smem:$0x3FDB];
	_ =	sdelay $0x1  }
0x9f: {  	s19 =	simm.s32 $_scs_section_size  }
0xa0: {  	s5 =	simm.s32 $_size__tile_overlayer_lowered;
	s6 =	simm.s32 $_tile_overlayer_lowered  }
0xa1: {  	s22 =	simm.s32 $0x1BFF;
	s21 =	sshll.u32 s6, $0x1;
	s3 =	sadd.s32 s19, s18  }
0xa2: {  	s7 =	simm.s32 $0x0;
	s20 =	sshll.u32 s5, $0x1;
	s5 =	sadd.s32 s21, s3  }
0xa3: {  	[timem:s7], [sflag:s22] =	dma.local [hbm:s5], s20  }
0xa4: {  	_ =	swait.ge [sflag:s22], s20  }
0xa5: {  	s4 =	ssub.s32 $0x0, s20;
	[sflag:s22] =	ssyncset.done $0x0  }
0xa6: {  	[sflag:s22] =	ssyncadd.s32 s4;
	_ =	sdelay $0x1  }
0xa7: {  	s23 =	simm.s32 $0x1B8B  }
0xa8: {  	_ =	swait.ge [sflag:s23], $0x1  }
0xa9: {  	[sflag:s23] =	ssyncset.done $0x0  }
0xaa: {  	s25 =	simm.s32 $0x1B8E;
	s24 =	sld [smem:$0x3FFE];
	[sflag:s23] =	ssyncadd.s32 $0xFFFFFFFF  }
0xab: {  	s26 =	simm.s32 $execute0_lowered;
	[smem:$0x3FD2] =	sst s25  }
0xac: {  	s5 =	sshll.u32 s26, $0x1;
	_ =	strace $0x80000046;
	[dreg:$0x1] =	wrdreg $0xFFFFFFFF  }
0xad: {  	s28 =	simm.s32 $_size_execute0_lowered;
	s3 =	sadd.s32 s3, s5;
	[dreg:$0x0] =	wrdreg $0x0  }
0xae: {  	s5 =	sshll.u32 s28, $0x1;
	[dreg:$0x2] =	wrdreg s3  }
0xaf: {  	[dreg:$0x3] =	wrdreg s5  }
0xb0: {  	[dreg:$0x4] =	wrdreg $0xC0  }
0xb1: {  	_ =	task [dreg:s7], $0x5FFFF  }
0xb2: {  	[dreg:$0x1] =	wrdreg $0xFFFFFFFF  }
0xb3: {  	[dreg:$0x0] =	wrdreg $0x60  }
0xb4: {  	[dreg:$0x2] =	wrdreg s24  }
0xb5: {  	[dreg:$0x3] =	wrdreg s16  }
0xb6: {  	[dreg:$0x4] =	wrdreg $0x9  }
0xb7: {  	_ =	task.clear_ibuf [dreg:s7], $0x5FFFF;
	_ =	strace $0x90000046  }
0xb8: {  	s29 =	simm.s32 $0x9;
	_ =	strace $0x80000048  }
0xb9: {  	_ =	swait.ge [sflag:s29], $0x1  }
0xba: {  	[sflag:s29] =	ssyncadd.s32 $0xFFFFFFFF  }
0xbb: {  	_ =	strace $0x90000048  }
0xbc: {  	_ =	sfence  }
0xbd: {  	s30 =	sld [smem:$0x0];
	_ =	sdelay $0x2  }
0xbe: {  	s31 =	sshll.u32 s1, $0xD;
	s1 =	sshrl.u32 s1, $0x2  }
0xbf: {  	s3 =	sand.u32 $0x4000, s31;
	s1 =	sadd.s32 s1, s30  }
0xc0: {  	s0 =	sor.u32 s3, s0;
	s1 =	sshll.u32 s1, $0x11  }
0xc1: {  	s0 =	sor.u32 s1, s0  }
0xc2: {  	s0 =	sadd.s32 $0x8F2B, s0  }
0xc3: {  	[sflag:s0] =	ssyncadd.remote.s32 $0x1  }
0xc4: {  	_ =	sfence.sel $0xFFFF  }
0xc5: {  	[dreg:$0x0] =	wrdreg $0xFFFFFFFF;
	(pc) =	sbr.abs _section_cstart, $3  }
0xc6: {  	[dreg:$0x1] =	wrdreg $0xFFFFFFFF  }
0xc7: {  	_ =	task.clear_ibuf [dreg:s7], $0x2FFFF;
	_ =	strace $0x9FFFFFFF  }
0xc8: {  	(tm) =	ssettm $0x7FFFFFFF  }
0xc9: {  	_ =	shalt  }
tec
execute0_lowered:
.L_overlay_start_1:
0x0: {  	(tag) =	ssettag $0x1  }
0x1: {  	s1 =	srdreg.scid;
	s2 =	rddreg [dreg:$0x0]  }
0x2: {  	s0 =	stileid.u32;
	s4 =	rddreg [dreg:$0x1];
	s6 =	sand.u32 $0x1, s1  }
0x3: {  	s3 =	simm.s32 $0x0;
	s5 =	sshll.u32 s0, $0x9;
	s7 =	sshll.u32 s6, $0x8  }
0x4: {  	[smem:$0x7FF] =	sst s3;
	s8 =	sor.u32 s7, s5  }
0x5: {  	s1 =	rddreg [dreg:$0x2];
	_ =	strace $0x80000047;
	s5 =	sshrl.u32 s8, $0x3  }
0x6: {  	s9 =	ssub.s32 $0x2, s6;
	s5 =	sadd.s32 s4, s5;
	s4 =	simm.s32 $0x2  }
0x7: {  	[tilespmem:s3], [sflag:$0x2] =	stream.linear.gather [hbm4b:s5+s3], $0x100, $0x38;
	[tilespmem:$0x8100] =	vst v63  }
0x8: {  	s10 =	sshrl.u32 s9, $0x1;
	_ =	swait.ge [sflag:s4], $0x100  }
0x9: {  	s6 =	simm.s32 $0x100;
	s9 =	ssub.s32 s9, s10;
	[sflag:s4] =	ssyncset.done $0x0  }
0xa: {  	s7 =	simm.s32 $0x1;
	s9 =	smax.u32 s9, $0x1;
	[sflag:s4] =	ssyncadd.s32 $0xFFFFFF00  }
0xb: {  	[tilespmem:s6], [sflag:$0x1] =	stream.indirect.gather [hbm4b:s2+s6], $0x80, s3, s6, $0xb8;
	[tilespmem:$0x8100] =	vst v63  }
0xc: {  	s8 =	sshll.u32 s8, $0x4;
	p0 =	sne.s32 s9, $0x1;
	_ =	swait.ge [sflag:s7], $0x8000  }
.Ltmp0:
0xd: {  	s8 =	sadd.s32 s8, s2;
	[sflag:s7] =	ssyncset.done $0x0;
	(pc) =	sbr.rel @!p0 .LBB2_2-.Ltmp0, $4  }
0xe: {  	s8 =	sadd.s32 $0x100000, s8;
	[sflag:s7] =	ssyncadd.s32 $0xFFFF8000  }
0xf: {  	[hbm4b:s8+s3] =	stream.linear.scatter [tilespmem:s6], [sflag:$0x2], $0x8000, $0x38;
	[tilespmem:$0x8100] =	vst v63  }
0x10: {  	_ =	swait.ge [sflag:s4], $0x8000  }
0x11: {  	s9 =	sadd.s32 $0xFFFFFFFF, s9;
	[sflag:s4] =	ssyncset.done $0x0  }
.LBB2_1:
0x12: {  	p0 =	sne.s32 s9, $0x1;
	s9 =	sadd.s32 $0xFFFFFFFF, s9;
	[sflag:s4] =	ssyncadd.s32 $0xFFFF8000  }
0x13: {  	[tilespmem:s3], [sflag:$0x2] =	stream.linear.gather [hbm4b:s5+s3], $0x100, $0x38;
	[tilespmem:$0x8100] =	vst v63  }
0x14: {  	_ =	swait.ge [sflag:s4], $0x100  }
0x15: {  	[sflag:s4] =	ssyncset.done $0x0  }
0x16: {  	[sflag:s4] =	ssyncadd.s32 $0xFFFFFF00  }
0x17: {  	[tilespmem:s6], [sflag:$0x1] =	stream.indirect.gather [hbm4b:s2+s6], $0x80, s3, s6, $0xb8;
	[tilespmem:$0x8100] =	vst v63  }
0x18: {  	_ =	swait.ge [sflag:s7], $0x8000  }
.Ltmp1:
0x19: {  	[sflag:s7] =	ssyncset.done $0x0;
	(pc) =	sbr.rel @p0 .LBB2_1-.Ltmp1, $4  }
0x1a: {  	[sflag:s7] =	ssyncadd.s32 $0xFFFF8000  }
0x1b: {  	[hbm4b:s8+s3] =	stream.linear.scatter [tilespmem:s6], [sflag:$0x2], $0x8000, $0x38;
	[tilespmem:$0x8100] =	vst v63  }
0x1c: {  	_ =	swait.ge [sflag:s4], $0x8000  }
0x1d: {  	[sflag:s4] =	ssyncset.done $0x0  }
.LBB2_2:
0x1e: {  	[sflag:s4] =	ssyncadd.s32 $0xFFFF8000  }
0x1f: {  	_ =	sfence.sel $0x180000  }
0x20: {  	[bflag:$0x0] =	sbarrier.arrive $0xFFFF  }
0x21: {  	p0 =	sne.s32 s0, $0x0;
	_ =	strace $0x90000047  }
0x22: {  	s0 =	sadd.s32 @!p0 $0x100000, s1;
	[bflag:$0x2] =	sbarrier.arrive $0xFFFF  }
0x23: {  	[sflag:s0] =	ssyncadd.tile.s32 @!p0 $0x1;
	_ =	shalt  }
.Lfunc_end2:
_tile_overlayer_lowered:
.L_overlay_start_2:
0x24: {  	(tag) =	ssettag $0x2  }
0x25: {  	s0 =	rddreg [dreg:$0x0];
	s2 =	stileid.u32  }
0x26: {  	s1 =	rddreg [dreg:$0x1];
	p0 =	sne.s32 s2, $0x0  }
0x27: {  	s3 =	rddreg [dreg:$0x2];
	[bflag:$0x3] =	sbarrier.arrive $0xFFFF;
	s2 =	simm.s32 @!p0 $0x1C02  }
0x28: {  	[timem:s3], [sflag:s2] =	dma.local @!p0 [hbm:s0], s1  }
0x29: {  	s0 =	simm.s32 @!p0 $0x2  }
0x2a: {  	_ =	swait.ge @!p0 [sflag:s0], s1  }
0x2b: {  	s1 =	ssub.s32 @!p0 $0x0, s1;
	[sflag:s0] =	ssyncset.done @!p0 $0x0  }
0x2c: {  	[sflag:s0] =	ssyncadd.s32 @!p0 s1  }
0x2d: {  	[bflag:$0x3] =	sbarrier.arrive $0xFFFF  }
0x2e: {  	_ =	shalt  }

</sc_bundles>
